<compile_context>
chip_gen: v7x
topology: tpu7x:2x2x1
jax: 0.10.2.dev20260603
libtpu: 0.0.44.dev20260713+nightly
codegen_flags: <defaults>
</compile_context>

<pallas_src>
import functools

import jax
import jax.numpy as jnp
from jax import lax
from jax.experimental import pallas as pl
from jax.experimental.pallas import tpu as pltpu
from jax.experimental.pallas import tpu_sc as plsc

CONFIDENCE = 0.8
SMOOTHING = 1.0 - CONFIDENCE

_NC, _NS, _NL = 2, 16, 16
_NW = _NC * _NS

ROW_TILE = 512
V_TILE = 6400


def _fill_kernel(out_ref, *, base):
    out_ref[...] = jnp.full(out_ref.shape, base, out_ref.dtype)


def _sc_scatter_body(out_hbm, ix_hbm, idx_v, conf_v, sem, *, v, rpw):
    wid = lax.axis_index("s") * _NC + lax.axis_index("c")
    row0 = wid * rpw
    pltpu.sync_copy(ix_hbm.at[pl.ds(row0, rpw)], idx_v)
    for j in range(rpw // _NL):
        rows = lax.iota(jnp.int32, _NL) + (row0 + j * _NL)
        flat = rows * v + idx_v[pl.ds(j * _NL, _NL)]
        idx_v[pl.ds(j * _NL, _NL)] = flat
        conf_v[pl.ds(j * _NL, _NL)] = jnp.full((_NL,), CONFIDENCE, jnp.float32)
    pltpu.async_copy(conf_v, out_hbm.at[idx_v], sem).wait()


def kernel(prediction, ix):
    B, S, V = prediction.shape
    R = B * S
    flat = R * V
    base = SMOOTHING / (V - 1)
    rpw = R // _NW

    filled = pl.pallas_call(
        functools.partial(_fill_kernel, base=base),
        grid=(flat // (ROW_TILE * V_TILE),),
        out_specs=pl.BlockSpec((ROW_TILE * V_TILE,), lambda i: (i,)),
        out_shape=jax.ShapeDtypeStruct((flat,), prediction.dtype),
    )()

    out_ref = jax.new_ref(filled)
    scatter = pl.kernel(
        functools.partial(_sc_scatter_body, v=V, rpw=rpw),
        out_type=(),
        mesh=plsc.VectorSubcoreMesh(
            core_axis_name="c",
            subcore_axis_name="s",
            num_cores=_NC,
            num_subcores=_NS,
        ),
        scratch_types=[
            pltpu.VMEM((rpw,), jnp.int32),
            pltpu.VMEM((rpw,), jnp.float32),
            pltpu.SemaphoreType.DMA,
        ],
    )
    scatter(out_ref, ix.reshape(R))
    return jax.freeze(out_ref).reshape(B, S, V)

# --- scband reference (transcript-rebuilt; emitter-appended) ---
"""Pipeline reference for scband-label-smoothing-80796924773033 (READ-ONLY COPY).

The authoritative reference and input builder live on the scoring server;
editing this copy changes nothing except your own understanding.
"""

import jax, jax.numpy as jnp
import numpy as np

B, S, V = 2, 2048, 32000
CONFIDENCE = 0.8
SMOOTHING = 1.0 - CONFIDENCE


def setup_inputs(seed: int = 0) -> dict:
    key = jax.random.key(seed)
    k1, k2 = jax.random.split(key)
    prediction = jax.random.normal(k1, (B, S, V), dtype=jnp.float32)
    ix = jax.random.randint(k2, (B, S), 0, V, dtype=jnp.int32)
    return {"prediction": prediction, "ix": ix}


def reference(prediction, ix):
    size = prediction.shape
    output_size = size[-1]
    zero_count = output_size - 1
    assert output_size > 1, 'you cannot smooth an output_prob_dim <= 1'
    assert SMOOTHING / zero_count < CONFIDENCE, 'High values should be greather than lower values'
    base = SMOOTHING / zero_count
    smoothed_dist = jnp.full(size, base, dtype=prediction.dtype)
    b_idx = jnp.arange(size[0])[:, None]
    s_idx = jnp.arange(size[1])[None, :]
    # scatter-overwrite along last dim: smoothed_dist.scatter_(-1, ix.unsqueeze(-1), confidence)
    smoothed_dist = smoothed_dist.at[b_idx, s_idx, ix].set(CONFIDENCE)
    return smoothed_dist

if __name__ == "__main__":
    import jax
    _d = setup_inputs()
    print(jax.jit(kernel)(*tuple(_d.values())))

</pallas_src>

<mosaic_0001>
#map = affine_map<(d0, d1) -> (0)>
module attributes {stable_mosaic.version = 14 : i64} {
  func.func @new_body(%arg0: i32, %arg1: i32, %arg2: memref<131072000xf32, #tpu.memory_space<hbm>>, %arg3: memref<4096xi32, #tpu.memory_space<hbm>>, %arg4: memref<131072000xf32, #tpu.memory_space<hbm>>, %arg5: memref<128xi32, #tpu.memory_space<vmem>>, %arg6: memref<128xf32, #tpu.memory_space<vmem>>, %arg7: memref<!tpu.dma_semaphore, #tpu.memory_space<semaphore_mem>>) attributes {dimension_semantics = [#tpu.dimension_semantics<core_parallel>, #tpu.dimension_semantics<subcore_parallel>], iteration_bounds = array<i64: 2, 16>, scalar_prefetch = 0 : i64, scratch_operands = 3 : i64, tpu.core_type = #tpu.core_type<sc_vector_subcore>, window_params = [{transform_indices = #map}, {transform_indices = #map}, {transform_indices = #map}]} {
    %mul3A = arith.constant 2 : i32
    %mul3A_0 = arith.muli %arg1, %mul3A : i32
    %add3A = arith.addi %mul3A_0, %arg0 : i32
    %mul3A_1 = arith.constant 128 : i32
    %mul3A_2 = arith.muli %add3A, %mul3A_1 : i32
    "tpu.region"() ({
      %run_scoped3A = tpu.sem_alloc : memref<!tpu.dma_semaphore, #tpu.memory_space<semaphore_mem>>
      %dma_start3A_177 = tpu.memref_slice %arg3[%mul3A_2] : memref<4096xi32, #tpu.memory_space<hbm>> -> memref<128xi32, #tpu.memory_space<hbm>>
      %dma_start3A_178 = tpu.memref_slice %arg3[%mul3A_2] : memref<4096xi32, #tpu.memory_space<hbm>> -> memref<128xi32, #tpu.memory_space<hbm>>
      tpu.enqueue_dma source(%dma_start3A_178 : memref<128xi32, #tpu.memory_space<hbm>>) target(%arg5 : memref<128xi32, #tpu.memory_space<vmem>>) target_semaphore(%run_scoped3A : memref<!tpu.dma_semaphore, #tpu.memory_space<semaphore_mem>>)
      %dma_wait3A_179 = tpu.memref_slice %arg3[%mul3A_2] : memref<4096xi32, #tpu.memory_space<hbm>> -> memref<128xi32, #tpu.memory_space<hbm>>
      %dma_wait3A_180 = tpu.memref_slice %arg3[%mul3A_2] : memref<4096xi32, #tpu.memory_space<hbm>> -> memref<128xi32, #tpu.memory_space<hbm>>
      tpu.wait_dma2 semaphore(%run_scoped3A : memref<!tpu.dma_semaphore, #tpu.memory_space<semaphore_mem>>) src(%dma_wait3A_180 : memref<128xi32, #tpu.memory_space<hbm>>) dst(%arg5 : memref<128xi32, #tpu.memory_space<vmem>>)
      tpu.yield
    }) : () -> ()
    %iota3A = tpu.iota {dimensions = array<i32: 0>} : vector<16xi32>
    %add3A_3 = arith.constant 0 : i32
    %add3A_4 = arith.addi %mul3A_2, %add3A_3 : i32
    %add3A_5 = vector.broadcast %add3A_4 : i32 to vector<16xi32>
    %add3A_6 = arith.addi %iota3A, %add3A_5 : vector<16xi32>
    %mul3A_7 = arith.constant 32000 : i32
    %mul3A_8 = vector.broadcast %mul3A_7 : i32 to vector<16xi32>
    %mul3A_9 = arith.muli %add3A_6, %mul3A_8 : vector<16xi32>
    %get3A = arith.constant 0 : index
    %get3A_10 = tpu.vector_load %arg5[%get3A] {strides = array<i32>} : memref<128xi32, #tpu.memory_space<vmem>>, vector<16xi32>,
    %get3A_11 = vector.shape_cast %get3A_10 : vector<16xi32> to vector<16xi32>
    %add3A_12 = arith.addi %mul3A_9, %get3A_11 : vector<16xi32>
    %swap3A = arith.constant 0 : index
    %swap3A_13 = tpu.vector_load %arg5[%swap3A] {strides = array<i32>} : memref<128xi32, #tpu.memory_space<vmem>>, vector<16xi32>,
    %swap3A_14 = vector.shape_cast %swap3A_13 : vector<16xi32> to vector<16xi32>
    %swap3A_15 = vector.shape_cast %add3A_12 : vector<16xi32> to vector<16xi32>
    tpu.vector_store %arg5[%swap3A], %swap3A_15 {strides = array<i32>} : memref<128xi32, #tpu.memory_space<vmem>>, vector<16xi32>,
    %broadcast_in_dim3A = arith.constant 8.000000e-01 : f32
    %broadcast_in_dim3A_16 = vector.broadcast %broadcast_in_dim3A : f32 to vector<16xf32>
    %swap3A_17 = arith.constant 0 : index
    %swap3A_18 = tpu.vector_load %arg6[%swap3A_17] {strides = array<i32>} : memref<128xf32, #tpu.memory_space<vmem>>, vector<16xf32>,
    %swap3A_19 = vector.shape_cast %swap3A_18 : vector<16xf32> to vector<16xf32>
    %swap3A_20 = vector.shape_cast %broadcast_in_dim3A_16 : vector<16xf32> to vector<16xf32>
    tpu.vector_store %arg6[%swap3A_17], %swap3A_20 {strides = array<i32>} : memref<128xf32, #tpu.memory_space<vmem>>, vector<16xf32>,
    %iota3A_21 = tpu.iota {dimensions = array<i32: 0>} : vector<16xi32>
    %add3A_22 = arith.constant 16 : i32
    %add3A_23 = arith.addi %mul3A_2, %add3A_22 : i32
    %add3A_24 = vector.broadcast %add3A_23 : i32 to vector<16xi32>
    %add3A_25 = arith.addi %iota3A_21, %add3A_24 : vector<16xi32>
    %mul3A_26 = arith.constant 32000 : i32
    %mul3A_27 = vector.broadcast %mul3A_26 : i32 to vector<16xi32>
    %mul3A_28 = arith.muli %add3A_25, %mul3A_27 : vector<16xi32>
    %get3A_29 = arith.constant 16 : index
    %get3A_30 = tpu.vector_load %arg5[%get3A_29] {strides = array<i32>} : memref<128xi32, #tpu.memory_space<vmem>>, vector<16xi32>,
    %get3A_31 = vector.shape_cast %get3A_30 : vector<16xi32> to vector<16xi32>
    %add3A_32 = arith.addi %mul3A_28, %get3A_31 : vector<16xi32>
    %swap3A_33 = arith.constant 16 : index
    %swap3A_34 = tpu.vector_load %arg5[%swap3A_33] {strides = array<i32>} : memref<128xi32, #tpu.memory_space<vmem>>, vector<16xi32>,
    %swap3A_35 = vector.shape_cast %swap3A_34 : vector<16xi32> to vector<16xi32>
    %swap3A_36 = vector.shape_cast %add3A_32 : vector<16xi32> to vector<16xi32>
    tpu.vector_store %arg5[%swap3A_33], %swap3A_36 {strides = array<i32>} : memref<128xi32, #tpu.memory_space<vmem>>, vector<16xi32>,
    %broadcast_in_dim3A_37 = arith.constant 8.000000e-01 : f32
    %broadcast_in_dim3A_38 = vector.broadcast %broadcast_in_dim3A_37 : f32 to vector<16xf32>
    %swap3A_39 = arith.constant 16 : index
    %swap3A_40 = tpu.vector_load %arg6[%swap3A_39] {strides = array<i32>} : memref<128xf32, #tpu.memory_space<vmem>>, vector<16xf32>,
    %swap3A_41 = vector.shape_cast %swap3A_40 : vector<16xf32> to vector<16xf32>
    %swap3A_42 = vector.shape_cast %broadcast_in_dim3A_38 : vector<16xf32> to vector<16xf32>
    tpu.vector_store %arg6[%swap3A_39], %swap3A_42 {strides = array<i32>} : memref<128xf32, #tpu.memory_space<vmem>>, vector<16xf32>,
    %iota3A_43 = tpu.iota {dimensions = array<i32: 0>} : vector<16xi32>
    %add3A_44 = arith.constant 32 : i32
    %add3A_45 = arith.addi %mul3A_2, %add3A_44 : i32
    %add3A_46 = vector.broadcast %add3A_45 : i32 to vector<16xi32>
    %add3A_47 = arith.addi %iota3A_43, %add3A_46 : vector<16xi32>
    %mul3A_48 = arith.constant 32000 : i32
    %mul3A_49 = vector.broadcast %mul3A_48 : i32 to vector<16xi32>
    %mul3A_50 = arith.muli %add3A_47, %mul3A_49 : vector<16xi32>
    %get3A_51 = arith.constant 32 : index
    %get3A_52 = tpu.vector_load %arg5[%get3A_51] {strides = array<i32>} : memref<128xi32, #tpu.memory_space<vmem>>, vector<16xi32>,
    %get3A_53 = vector.shape_cast %get3A_52 : vector<16xi32> to vector<16xi32>
    %add3A_54 = arith.addi %mul3A_50, %get3A_53 : vector<16xi32>
    %swap3A_55 = arith.constant 32 : index
    %swap3A_56 = tpu.vector_load %arg5[%swap3A_55] {strides = array<i32>} : memref<128xi32, #tpu.memory_space<vmem>>, vector<16xi32>,
    %swap3A_57 = vector.shape_cast %swap3A_56 : vector<16xi32> to vector<16xi32>
    %swap3A_58 = vector.shape_cast %add3A_54 : vector<16xi32> to vector<16xi32>
    tpu.vector_store %arg5[%swap3A_55], %swap3A_58 {strides = array<i32>} : memref<128xi32, #tpu.memory_space<vmem>>, vector<16xi32>,
    %broadcast_in_dim3A_59 = arith.constant 8.000000e-01 : f32
    %broadcast_in_dim3A_60 = vector.broadcast %broadcast_in_dim3A_59 : f32 to vector<16xf32>
    %swap3A_61 = arith.constant 32 : index
    %swap3A_62 = tpu.vector_load %arg6[%swap3A_61] {strides = array<i32>} : memref<128xf32, #tpu.memory_space<vmem>>, vector<16xf32>,
    %swap3A_63 = vector.shape_cast %swap3A_62 : vector<16xf32> to vector<16xf32>
    %swap3A_64 = vector.shape_cast %broadcast_in_dim3A_60 : vector<16xf32> to vector<16xf32>
    tpu.vector_store %arg6[%swap3A_61], %swap3A_64 {strides = array<i32>} : memref<128xf32, #tpu.memory_space<vmem>>, vector<16xf32>,
    %iota3A_65 = tpu.iota {dimensions = array<i32: 0>} : vector<16xi32>
    %add3A_66 = arith.constant 48 : i32
    %add3A_67 = arith.addi %mul3A_2, %add3A_66 : i32
    %add3A_68 = vector.broadcast %add3A_67 : i32 to vector<16xi32>
    %add3A_69 = arith.addi %iota3A_65, %add3A_68 : vector<16xi32>
    %mul3A_70 = arith.constant 32000 : i32
    %mul3A_71 = vector.broadcast %mul3A_70 : i32 to vector<16xi32>
    %mul3A_72 = arith.muli %add3A_69, %mul3A_71 : vector<16xi32>
    %get3A_73 = arith.constant 48 : index
    %get3A_74 = tpu.vector_load %arg5[%get3A_73] {strides = array<i32>} : memref<128xi32, #tpu.memory_space<vmem>>, vector<16xi32>,
    %get3A_75 = vector.shape_cast %get3A_74 : vector<16xi32> to vector<16xi32>
    %add3A_76 = arith.addi %mul3A_72, %get3A_75 : vector<16xi32>
    %swap3A_77 = arith.constant 48 : index
    %swap3A_78 = tpu.vector_load %arg5[%swap3A_77] {strides = array<i32>} : memref<128xi32, #tpu.memory_space<vmem>>, vector<16xi32>,
    %swap3A_79 = vector.shape_cast %swap3A_78 : vector<16xi32> to vector<16xi32>
    %swap3A_80 = vector.shape_cast %add3A_76 : vector<16xi32> to vector<16xi32>
    tpu.vector_store %arg5[%swap3A_77], %swap3A_80 {strides = array<i32>} : memref<128xi32, #tpu.memory_space<vmem>>, vector<16xi32>,
    %broadcast_in_dim3A_81 = arith.constant 8.000000e-01 : f32
    %broadcast_in_dim3A_82 = vector.broadcast %broadcast_in_dim3A_81 : f32 to vector<16xf32>
    %swap3A_83 = arith.constant 48 : index
    %swap3A_84 = tpu.vector_load %arg6[%swap3A_83] {strides = array<i32>} : memref<128xf32, #tpu.memory_space<vmem>>, vector<16xf32>,
    %swap3A_85 = vector.shape_cast %swap3A_84 : vector<16xf32> to vector<16xf32>
    %swap3A_86 = vector.shape_cast %broadcast_in_dim3A_82 : vector<16xf32> to vector<16xf32>
    tpu.vector_store %arg6[%swap3A_83], %swap3A_86 {strides = array<i32>} : memref<128xf32, #tpu.memory_space<vmem>>, vector<16xf32>,
    %iota3A_87 = tpu.iota {dimensions = array<i32: 0>} : vector<16xi32>
    %add3A_88 = arith.constant 64 : i32
    %add3A_89 = arith.addi %mul3A_2, %add3A_88 : i32
    %add3A_90 = vector.broadcast %add3A_89 : i32 to vector<16xi32>
    %add3A_91 = arith.addi %iota3A_87, %add3A_90 : vector<16xi32>
    %mul3A_92 = arith.constant 32000 : i32
    %mul3A_93 = vector.broadcast %mul3A_92 : i32 to vector<16xi32>
    %mul3A_94 = arith.muli %add3A_91, %mul3A_93 : vector<16xi32>
    %get3A_95 = arith.constant 64 : index
    %get3A_96 = tpu.vector_load %arg5[%get3A_95] {strides = array<i32>} : memref<128xi32, #tpu.memory_space<vmem>>, vector<16xi32>,
    %get3A_97 = vector.shape_cast %get3A_96 : vector<16xi32> to vector<16xi32>
    %add3A_98 = arith.addi %mul3A_94, %get3A_97 : vector<16xi32>
    %swap3A_99 = arith.constant 64 : index
    %swap3A_100 = tpu.vector_load %arg5[%swap3A_99] {strides = array<i32>} : memref<128xi32, #tpu.memory_space<vmem>>, vector<16xi32>,
    %swap3A_101 = vector.shape_cast %swap3A_100 : vector<16xi32> to vector<16xi32>
    %swap3A_102 = vector.shape_cast %add3A_98 : vector<16xi32> to vector<16xi32>
    tpu.vector_store %arg5[%swap3A_99], %swap3A_102 {strides = array<i32>} : memref<128xi32, #tpu.memory_space<vmem>>, vector<16xi32>,
    %broadcast_in_dim3A_103 = arith.constant 8.000000e-01 : f32
    %broadcast_in_dim3A_104 = vector.broadcast %broadcast_in_dim3A_103 : f32 to vector<16xf32>
    %swap3A_105 = arith.constant 64 : index
    %swap3A_106 = tpu.vector_load %arg6[%swap3A_105] {strides = array<i32>} : memref<128xf32, #tpu.memory_space<vmem>>, vector<16xf32>,
    %swap3A_107 = vector.shape_cast %swap3A_106 : vector<16xf32> to vector<16xf32>
    %swap3A_108 = vector.shape_cast %broadcast_in_dim3A_104 : vector<16xf32> to vector<16xf32>
    tpu.vector_store %arg6[%swap3A_105], %swap3A_108 {strides = array<i32>} : memref<128xf32, #tpu.memory_space<vmem>>, vector<16xf32>,
    %iota3A_109 = tpu.iota {dimensions = array<i32: 0>} : vector<16xi32>
    %add3A_110 = arith.constant 80 : i32
    %add3A_111 = arith.addi %mul3A_2, %add3A_110 : i32
    %add3A_112 = vector.broadcast %add3A_111 : i32 to vector<16xi32>
    %add3A_113 = arith.addi %iota3A_109, %add3A_112 : vector<16xi32>
    %mul3A_114 = arith.constant 32000 : i32
    %mul3A_115 = vector.broadcast %mul3A_114 : i32 to vector<16xi32>
    %mul3A_116 = arith.muli %add3A_113, %mul3A_115 : vector<16xi32>
    %get3A_117 = arith.constant 80 : index
    %get3A_118 = tpu.vector_load %arg5[%get3A_117] {strides = array<i32>} : memref<128xi32, #tpu.memory_space<vmem>>, vector<16xi32>,
    %get3A_119 = vector.shape_cast %get3A_118 : vector<16xi32> to vector<16xi32>
    %add3A_120 = arith.addi %mul3A_116, %get3A_119 : vector<16xi32>
    %swap3A_121 = arith.constant 80 : index
    %swap3A_122 = tpu.vector_load %arg5[%swap3A_121] {strides = array<i32>} : memref<128xi32, #tpu.memory_space<vmem>>, vector<16xi32>,
    %swap3A_123 = vector.shape_cast %swap3A_122 : vector<16xi32> to vector<16xi32>
    %swap3A_124 = vector.shape_cast %add3A_120 : vector<16xi32> to vector<16xi32>
    tpu.vector_store %arg5[%swap3A_121], %swap3A_124 {strides = array<i32>} : memref<128xi32, #tpu.memory_space<vmem>>, vector<16xi32>,
    %broadcast_in_dim3A_125 = arith.constant 8.000000e-01 : f32
    %broadcast_in_dim3A_126 = vector.broadcast %broadcast_in_dim3A_125 : f32 to vector<16xf32>
    %swap3A_127 = arith.constant 80 : index
    %swap3A_128 = tpu.vector_load %arg6[%swap3A_127] {strides = array<i32>} : memref<128xf32, #tpu.memory_space<vmem>>, vector<16xf32>,
    %swap3A_129 = vector.shape_cast %swap3A_128 : vector<16xf32> to vector<16xf32>
    %swap3A_130 = vector.shape_cast %broadcast_in_dim3A_126 : vector<16xf32> to vector<16xf32>
    tpu.vector_store %arg6[%swap3A_127], %swap3A_130 {strides = array<i32>} : memref<128xf32, #tpu.memory_space<vmem>>, vector<16xf32>,
    %iota3A_131 = tpu.iota {dimensions = array<i32: 0>} : vector<16xi32>
    %add3A_132 = arith.constant 96 : i32
    %add3A_133 = arith.addi %mul3A_2, %add3A_132 : i32
    %add3A_134 = vector.broadcast %add3A_133 : i32 to vector<16xi32>
    %add3A_135 = arith.addi %iota3A_131, %add3A_134 : vector<16xi32>
    %mul3A_136 = arith.constant 32000 : i32
    %mul3A_137 = vector.broadcast %mul3A_136 : i32 to vector<16xi32>
    %mul3A_138 = arith.muli %add3A_135, %mul3A_137 : vector<16xi32>
    %get3A_139 = arith.constant 96 : index
    %get3A_140 = tpu.vector_load %arg5[%get3A_139] {strides = array<i32>} : memref<128xi32, #tpu.memory_space<vmem>>, vector<16xi32>,
    %get3A_141 = vector.shape_cast %get3A_140 : vector<16xi32> to vector<16xi32>
    %add3A_142 = arith.addi %mul3A_138, %get3A_141 : vector<16xi32>
    %swap3A_143 = arith.constant 96 : index
    %swap3A_144 = tpu.vector_load %arg5[%swap3A_143] {strides = array<i32>} : memref<128xi32, #tpu.memory_space<vmem>>, vector<16xi32>,
    %swap3A_145 = vector.shape_cast %swap3A_144 : vector<16xi32> to vector<16xi32>
    %swap3A_146 = vector.shape_cast %add3A_142 : vector<16xi32> to vector<16xi32>
    tpu.vector_store %arg5[%swap3A_143], %swap3A_146 {strides = array<i32>} : memref<128xi32, #tpu.memory_space<vmem>>, vector<16xi32>,
    %broadcast_in_dim3A_147 = arith.constant 8.000000e-01 : f32
    %broadcast_in_dim3A_148 = vector.broadcast %broadcast_in_dim3A_147 : f32 to vector<16xf32>
    %swap3A_149 = arith.constant 96 : index
    %swap3A_150 = tpu.vector_load %arg6[%swap3A_149] {strides = array<i32>} : memref<128xf32, #tpu.memory_space<vmem>>, vector<16xf32>,
    %swap3A_151 = vector.shape_cast %swap3A_150 : vector<16xf32> to vector<16xf32>
    %swap3A_152 = vector.shape_cast %broadcast_in_dim3A_148 : vector<16xf32> to vector<16xf32>
    tpu.vector_store %arg6[%swap3A_149], %swap3A_152 {strides = array<i32>} : memref<128xf32, #tpu.memory_space<vmem>>, vector<16xf32>,
    %iota3A_153 = tpu.iota {dimensions = array<i32: 0>} : vector<16xi32>
    %add3A_154 = arith.constant 112 : i32
    %add3A_155 = arith.addi %mul3A_2, %add3A_154 : i32
    %add3A_156 = vector.broadcast %add3A_155 : i32 to vector<16xi32>
    %add3A_157 = arith.addi %iota3A_153, %add3A_156 : vector<16xi32>
    %mul3A_158 = arith.constant 32000 : i32
    %mul3A_159 = vector.broadcast %mul3A_158 : i32 to vector<16xi32>
    %mul3A_160 = arith.muli %add3A_157, %mul3A_159 : vector<16xi32>
    %get3A_161 = arith.constant 112 : index
    %get3A_162 = tpu.vector_load %arg5[%get3A_161] {strides = array<i32>} : memref<128xi32, #tpu.memory_space<vmem>>, vector<16xi32>,
    %get3A_163 = vector.shape_cast %get3A_162 : vector<16xi32> to vector<16xi32>
    %add3A_164 = arith.addi %mul3A_160, %get3A_163 : vector<16xi32>
    %swap3A_165 = arith.constant 112 : index
    %swap3A_166 = tpu.vector_load %arg5[%swap3A_165] {strides = array<i32>} : memref<128xi32, #tpu.memory_space<vmem>>, vector<16xi32>,
    %swap3A_167 = vector.shape_cast %swap3A_166 : vector<16xi32> to vector<16xi32>
    %swap3A_168 = vector.shape_cast %add3A_164 : vector<16xi32> to vector<16xi32>
    tpu.vector_store %arg5[%swap3A_165], %swap3A_168 {strides = array<i32>} : memref<128xi32, #tpu.memory_space<vmem>>, vector<16xi32>,
    %broadcast_in_dim3A_169 = arith.constant 8.000000e-01 : f32
    %broadcast_in_dim3A_170 = vector.broadcast %broadcast_in_dim3A_169 : f32 to vector<16xf32>
    %swap3A_171 = arith.constant 112 : index
    %swap3A_172 = tpu.vector_load %arg6[%swap3A_171] {strides = array<i32>} : memref<128xf32, #tpu.memory_space<vmem>>, vector<16xf32>,
    %swap3A_173 = vector.shape_cast %swap3A_172 : vector<16xf32> to vector<16xf32>
    %swap3A_174 = vector.shape_cast %broadcast_in_dim3A_170 : vector<16xf32> to vector<16xf32>
    tpu.vector_store %arg6[%swap3A_171], %swap3A_174 {strides = array<i32>} : memref<128xf32, #tpu.memory_space<vmem>>, vector<16xf32>,
    %dma_start3A = arith.constant 0 : i32
    %dma_start3A_175 = tpu.memref_slice %arg2[%dma_start3A] : memref<131072000xf32, #tpu.memory_space<hbm>> -> memref<131072000xf32, #tpu.memory_space<hbm>>
    tpu.enqueue_indirect_dma source(%arg6 : memref<128xf32, #tpu.memory_space<vmem>>) target(%dma_start3A_175 : memref<131072000xf32, #tpu.memory_space<hbm>>) offsets(%arg5 : memref<128xi32, #tpu.memory_space<vmem>>) semaphore(%arg7 : memref<!tpu.dma_semaphore, #tpu.memory_space<semaphore_mem>>)
    %dma_wait3A = arith.constant 0 : i32
    %dma_wait3A_176 = tpu.memref_slice %arg2[%dma_wait3A] : memref<131072000xf32, #tpu.memory_space<hbm>> -> memref<131072000xf32, #tpu.memory_space<hbm>>
    tpu.wait_indirect_dma semaphore(%arg7 : memref<!tpu.dma_semaphore, #tpu.memory_space<semaphore_mem>>) src(%arg6 : memref<128xf32, #tpu.memory_space<vmem>>) dst(%dma_wait3A_176 : memref<131072000xf32, #tpu.memory_space<hbm>>)
    return
  }
}

module attributes {stable_mosaic.version = 14 : i64} {
  func.func @_fill_kernel(%arg0: i32, %arg1: memref<3276800xf32, #tpu.memory_space<vmem>>) attributes {dimension_semantics = [#tpu.dimension_semantics<arbitrary>], iteration_bounds = array<i64: 40>, scalar_prefetch = 0 : i64, scratch_operands = 0 : i64, tpu.core_type = #tpu.core_type<tc>, window_params = [{transform_indices = @transform_0, window_bounds = array<i64: 3276800>}]} {
    %broadcast_in_dim3A = arith.constant 6.25019538E-6 : f32
    %broadcast_in_dim3A_0 = vector.broadcast %broadcast_in_dim3A : f32 to vector<3276800xf32>
    %swap3A = arith.constant 0 : index
    %swap3A_1 = vector.load %arg1[%swap3A] : memref<3276800xf32, #tpu.memory_space<vmem>>, vector<3276800xf32>
    tpu.vector_store %arg1[%swap3A], %broadcast_in_dim3A_0 {strides = array<i32>} : memref<3276800xf32, #tpu.memory_space<vmem>>, vector<3276800xf32>,
    return
  }
  func.func @transform_0(%arg0: i32) -> i32 {
    %c0_i32 = arith.constant 0 : i32
    return %arg0 : i32
  }
}

</mosaic_0001>

<sc_bundles>
// kernel: kernel.4.cloned.1.call-start
scs
__scs_entry_jumppad:
0x0: {  	(pc) =	sbr.rel $0x88, $3  }
0x1: {  	(tag) =	ssettag $0x0;
	lr =	simm.s32 $0x1  }
0x2: {  	[smem:$0x3FA0] =	sst lr;
	_ =	strace $0xD0000000  }
0x3: {  	_ = 	snop  }
0x4: {  	_ = 	snop  }
0x5: {  	_ = 	snop  }
0x6: {  	_ = 	snop  }
0x7: {  	_ = 	snop  }
__scs_overlays_trampoline_lowered:
0x8: {  	[smem:$0x3FAF] =	sst s0  }
0x9: {  	[smem:$0x3FB0] =	sst s1  }
0xa: {  	[smem:$0x3FB1] =	sst s2  }
0xb: {  	[smem:$0x3FB2] =	sst s3  }
0xc: {  	[smem:$0x3FB3] =	sst s4  }
0xd: {  	[smem:$0x3FB4] =	sst s5  }
0xe: {  	[smem:$0x3FB5] =	sst s6  }
0xf: {  	[smem:$0x3FB6] =	sst s7  }
0x10: {  	[smem:$0x3FB7] =	sst s8  }
0x11: {  	[smem:$0x3FB8] =	sst s9;
	s0 =	simm.s32 @!p0 $0x0  }
0x12: {  	s1 =	sld [smem:$0x3F9E];
	s0 =	simm.s32 @p0 $0x1  }
0x13: {  	[smem:$0x3FB9] =	sst s0;
	s0 =	simm.s32 @!p1 $0x0  }
0x14: {  	s2 =	sld [smem:$0x3F9D];
	s0 =	simm.s32 @p1 $0x1  }
0x15: {  	[smem:$0x3FBA] =	sst s0;
	s0 =	simm.s32 @!p2 $0x0  }
0x16: {  	s3 =	sld [smem:$0x3FDB];
	s0 =	simm.s32 @p2 $0x1  }
0x17: {  	s4 =	simm.s32 $0x1BF5;
	[smem:$0x3FBC] =	sst s0  }
0x18: {  	s0 =	sld [smem:$0x3F9F];
	_ =	swait.ge [sflag:s4], $0x0  }
0x19: {  	s7 =	sld [smem:$0x3FA0]  }
0x1a: {  	s8 =	sadd.s32 $0xFFFFE003, lr  }
0x1b: {  	s9 =	sadd.s32 $0xFFFFFEF7, lr;
	s5 =	simm.s32 $0xFFFFFFFF;
	p2 =	slt.u32 s8, $0xFFFFF086  }
0x1c: {  	p1 =	slt.u32 s9, $0xF7A;
	s5 =	simm.s32 @!p2 $0x0  }
0x1d: {  	s5 =	simm.s32 @p1 $0x1;
	p0 =	seq.s32 s7, s2  }
0x1e: {  	s7 =	smul.u32 @!p0 $0xF7A, s2;
	p2 =	seq.s32 @!p0 s5, $0x0  }
0x1f: {  	s9 =	smul.u32 $0xF7A, s1;
	s8 =	simm.s32 @!p0 $0x1BF5;
	p2 =	por !p2, p0  }
0x20: {  	[sflag:s8] =	ssyncset.s32 @!p0 $0xFFFFF086;
	s6 =	sadd.s32 @!p0 s3, s7;
	s7 =	simm.s32 @!p0 $0x108  }
0x21: {  	s3 =	sadd.s32 s3, s9;
	s6 =	sadd.s32 @!p0 $0x88, s6;
	s7 =	simm.s32 @p2 $0x1082  }
0x22: {  	[simem:s7], [sflag:s8] =	dma.local @!p0 [hbm:s6], $0xF7A  }
0x23: {  	s9 =	sor.u32 $0xD0000000, s2;
	s6 =	simm.s32 $0x108;
	_ =	swait.ge @!p0 [sflag:s8], $0x0  }
0x24: {  	s3 =	sadd.s32 $0x88, s3;
	s6 =	simm.s32 @!p1 $0x1082;
	[sflag:s4] =	ssyncset.s32 $0xFFFFF086  }
0x25: {  	[simem:s6], [sflag:s4] =	dma.local [hbm:s3], $0xF7A  }
0x26: {  	[smem:$0x3FA0] =	sst s1;
	(tag) =	ssettag s2;
	_ =	strace s9  }
0x27: {  	s1 =	sld [smem:$0x3FB0]  }
0x28: {  	s2 =	sld [smem:$0x3FB1]  }
0x29: {  	s4 =	sld [smem:$0x3FB3]  }
0x2a: {  	p0 =	seq.s32 s5, $0x0;
	s5 =	sld [smem:$0x3FB4]  }
0x2b: {  	s6 =	sld [smem:$0x3FB5]  }
0x2c: {  	s7 =	sld [smem:$0x3FB6]  }
0x2d: {  	s3 =	simm.s32 $0x108;
	s8 =	sld [smem:$0x3FB7]  }
0x2e: {  	s3 =	simm.s32 @!p0 $0x1082;
	s9 =	sld [smem:$0x3FB8]  }
0x2f: {  	lr =	sadd.s32 s0, s3;
	s0 =	sld [smem:$0x3FAF]  }
0x30: {  	s3 =	sld [smem:$0x3FB2]  }
0x31: {  	[smem:$0x3FBB] =	sst s10  }
0x32: {  	s10 =	sld [smem:$0x3FB9];
	_ =	sdelay $0x3  }
0x33: {  	p0 =	seq.s32 s10, $0x1;
	s10 =	sld [smem:$0x3FBB];
	_ =	sdelay $0x3  }
0x34: {  	[smem:$0x3FBB] =	sst s10  }
0x35: {  	s10 =	sld [smem:$0x3FBA];
	_ =	sdelay $0x3  }
0x36: {  	p1 =	seq.s32 s10, $0x1;
	s10 =	sld [smem:$0x3FBB];
	_ =	sdelay $0x3  }
0x37: {  	[smem:$0x3FBB] =	sst s10  }
0x38: {  	s10 =	sld [smem:$0x3FBC]  }
0x39: {  	_ = 	snop;
	(pc) =	sbr.ind lr, $3  }
0x3a: {  	_ = 	snop  }
0x3b: {  	_ = 	snop  }
0x3c: {  	p2 =	seq.s32 s10, $0x1;
	s10 =	sld [smem:$0x3FBB]  }
0x3d: {  	_ =	shalt  }
0x3e: {  	_ =	shalt  }
0x3f: {  	_ =	shalt  }
0x40: {  	_ =	shalt  }
0x41: {  	_ =	shalt  }
0x42: {  	_ =	shalt  }
0x43: {  	_ =	shalt  }
0x44: {  	_ =	shalt  }
0x45: {  	_ =	shalt  }
0x46: {  	_ =	shalt  }
0x47: {  	_ =	shalt  }
0x48: {  	_ =	shalt  }
0x49: {  	_ =	shalt  }
0x4a: {  	_ =	shalt  }
0x4b: {  	_ =	shalt  }
0x4c: {  	_ =	shalt  }
0x4d: {  	_ =	shalt  }
0x4e: {  	_ =	shalt  }
0x4f: {  	_ =	shalt  }
0x50: {  	_ =	shalt  }
0x51: {  	_ =	shalt  }
0x52: {  	_ =	shalt  }
0x53: {  	_ =	shalt  }
0x54: {  	_ =	shalt  }
0x55: {  	_ =	shalt  }
0x56: {  	_ =	shalt  }
0x57: {  	_ =	shalt  }
0x58: {  	_ =	shalt  }
0x59: {  	_ =	shalt  }
0x5a: {  	_ =	shalt  }
0x5b: {  	_ =	shalt  }
0x5c: {  	_ =	shalt  }
0x5d: {  	_ =	shalt  }
0x5e: {  	_ =	shalt  }
0x5f: {  	_ =	shalt  }
0x60: {  	_ =	shalt  }
0x61: {  	_ =	shalt  }
0x62: {  	_ =	shalt  }
0x63: {  	_ =	shalt  }
0x64: {  	_ =	shalt  }
0x65: {  	_ =	shalt  }
0x66: {  	_ =	shalt  }
0x67: {  	_ =	shalt  }
0x68: {  	_ =	shalt  }
0x69: {  	_ =	shalt  }
0x6a: {  	_ =	shalt  }
0x6b: {  	_ =	shalt  }
0x6c: {  	_ =	shalt  }
0x6d: {  	_ =	shalt  }
0x6e: {  	_ =	shalt  }
0x6f: {  	_ =	shalt  }
0x70: {  	_ =	shalt  }
0x71: {  	_ =	shalt  }
0x72: {  	_ =	shalt  }
0x73: {  	_ =	shalt  }
0x74: {  	_ =	shalt  }
0x75: {  	_ =	shalt  }
0x76: {  	_ =	shalt  }
0x77: {  	_ =	shalt  }
0x78: {  	_ =	shalt  }
0x79: {  	_ =	shalt  }
0x7a: {  	_ =	shalt  }
0x7b: {  	_ =	shalt  }
0x7c: {  	_ =	shalt  }
0x7d: {  	_ =	shalt  }
0x7e: {  	_ =	shalt  }
0x7f: {  	_ =	shalt  }
0x80: {  	_ =	shalt  }
0x81: {  	_ =	shalt  }
0x82: {  	_ =	shalt  }
0x83: {  	_ =	shalt  }
0x84: {  	_ =	shalt  }
0x85: {  	_ =	shalt  }
0x86: {  	_ =	shalt  }
0x87: {  	_ =	shalt  }
.Lfunc_end0:
.L_simem_size_0:
called_computation_lowered:
.L_overlay_start_0:
0x88: {  	s2 =	sld [smem:$0x3FD9]  }
0x89: {  	s3 =	sld [smem:$0x3FFE];
	_ =	sdelay $0x1  }
0x8a: {  	s1 =	srdreg.scid  }
0x8b: {  	s0 =	sand.u32 $0x1, s1  }
0x8c: {  	s17 =	sshll.u32 s0, $0xA;
	s2 =	sadd.s32 s3, s2  }
0x8d: {  	s2 =	sadd.s32 s2, s17  }
0x8e: {  	[smem:$0x3FC7] =	sst s2  }
0x8f: {  	_ = 	snop  }
0x90: {  	s2 =	sld [smem:$0x3FD0];
	(tm) =	ssettm $0x1  }
0x91: {  	s18 =	sld [smem:$0x3FFB];
	_ =	sdelay $0x3  }
0x92: {  	_ =	strace s18  }
0x93: {  	s3 =	sld [smem:$0x3FFC];
	_ =	sdelay $0x3  }
0x94: {  	_ =	strace s3  }
0x95: {  	s3 =	sld [smem:$0x3FFD];
	_ =	sdelay $0x3  }
0x96: {  	_ =	strace s3  }
0x97: {  	_ =	strace $0x8FFFFFFF  }
0x98: {  	s19 =	sld [smem:$0x3FDB];
	_ =	sdelay $0x1  }
0x99: {  	s4 =	simm.s32 $_scs_section_size  }
0x9a: {  	s5 =	simm.s32 $_size__tile_overlayer_lowered;
	s6 =	simm.s32 $_tile_overlayer_lowered  }
0x9b: {  	s22 =	simm.s32 $0x1BFF;
	s21 =	sshll.u32 s6, $0x1;
	s3 =	sadd.s32 s4, s19  }
0x9c: {  	s7 =	simm.s32 $0x0;
	s20 =	sshll.u32 s5, $0x1;
	s5 =	sadd.s32 s21, s3  }
0x9d: {  	[timem:s7], [sflag:s22] =	dma.local [hbm:s5], s20  }
0x9e: {  	_ =	swait.ge [sflag:s22], s20  }
0x9f: {  	s4 =	ssub.s32 $0x0, s20;
	[sflag:s22] =	ssyncset.done $0x0  }
0xa0: {  	[sflag:s22] =	ssyncadd.s32 s4;
	_ =	sdelay $0x1  }
0xa1: {  	s23 =	simm.s32 $0x1B8B  }
0xa2: {  	_ =	swait.ge [sflag:s23], $0x1  }
0xa3: {  	[sflag:s23] =	ssyncset.done $0x0  }
0xa4: {  	s25 =	simm.s32 $0x1B8E;
	s24 =	sld [smem:$0x3FFE];
	[sflag:s23] =	ssyncadd.s32 $0xFFFFFFFF  }
0xa5: {  	s26 =	simm.s32 $execute0_lowered;
	[smem:$0x3FD2] =	sst s25  }
0xa6: {  	s5 =	sshll.u32 s26, $0x1;
	_ =	strace $0x80000046;
	[dreg:$0x1] =	wrdreg $0xFFFFFFFF  }
0xa7: {  	s28 =	simm.s32 $_size_execute0_lowered;
	s3 =	sadd.s32 s3, s5;
	[dreg:$0x0] =	wrdreg $0x0  }
0xa8: {  	s5 =	sshll.u32 s28, $0x1;
	[dreg:$0x2] =	wrdreg s3  }
0xa9: {  	[dreg:$0x3] =	wrdreg s5  }
0xaa: {  	[dreg:$0x4] =	wrdreg $0xC0  }
0xab: {  	_ =	task [dreg:s7], $0x5FFFF  }
0xac: {  	[dreg:$0x1] =	wrdreg $0xFFFFFFFF  }
0xad: {  	[dreg:$0x0] =	wrdreg $0x60  }
0xae: {  	[dreg:$0x2] =	wrdreg s24  }
0xaf: {  	[dreg:$0x3] =	wrdreg s2  }
0xb0: {  	[dreg:$0x4] =	wrdreg $0x9  }
0xb1: {  	_ =	task.clear_ibuf [dreg:s7], $0x5FFFF;
	_ =	strace $0x90000046  }
0xb2: {  	s29 =	simm.s32 $0x9;
	_ =	strace $0x80000048  }
0xb3: {  	_ =	swait.ge [sflag:s29], $0x1  }
0xb4: {  	[sflag:s29] =	ssyncadd.s32 $0xFFFFFFFF  }
0xb5: {  	_ =	strace $0x90000048  }
0xb6: {  	_ =	sfence  }
0xb7: {  	s30 =	sld [smem:$0x0];
	_ =	sdelay $0x2  }
0xb8: {  	s31 =	sshll.u32 s1, $0xD;
	s1 =	sshrl.u32 s1, $0x2  }
0xb9: {  	s3 =	sand.u32 $0x4000, s31;
	s1 =	sadd.s32 s1, s30  }
0xba: {  	s0 =	sor.u32 s3, s0;
	s1 =	sshll.u32 s1, $0x11  }
0xbb: {  	s0 =	sor.u32 s1, s0  }
0xbc: {  	s0 =	sadd.s32 $0x8F2B, s0  }
0xbd: {  	[sflag:s0] =	ssyncadd.remote.s32 $0x1  }
0xbe: {  	_ =	sfence.sel $0xFFFF  }
0xbf: {  	[dreg:$0x0] =	wrdreg $0xFFFFFFFF;
	(pc) =	sbr.abs _section_cstart, $3  }
0xc0: {  	[dreg:$0x1] =	wrdreg $0xFFFFFFFF  }
0xc1: {  	_ =	task.clear_ibuf [dreg:s7], $0x2FFFF;
	_ =	strace $0x9FFFFFFF  }
0xc2: {  	(tm) =	ssettm $0x7FFFFFFF  }
0xc3: {  	_ =	shalt  }
tec
execute0_lowered:
.L_overlay_start_1:
0x0: {  	(tag) =	ssettag $0x1  }
0x1: {  	s5 =	rddreg [dreg:$0x0]  }
0x2: {  	s3 =	rddreg [dreg:$0x1];
	s2 =	srdreg.scid  }
0x3: {  	s1 =	stileid.u32;
	s6 =	sand.u32 $0x1, s2;
	s2 =	simm.s32 $0x0  }
0x4: {  	s4 =	sshll.u32 s1, $0x8;
	s7 =	sshll.u32 s6, $0x7;
	[smem:$0x7FF] =	sst s2  }
0x5: {  	s0 =	rddreg [dreg:$0x2];
	s7 =	sor.u32 s7, s4;
	_ =	strace $0x80000047  }
0x6: {  	s4 =	sshrl.u32 s7, $0x3;
	s8 =	sor.u32 $0x10, s7;
	s25 =	sor.u32 $0x20, s7  }
0x7: {  	v1 =	vlaneseq.u32;
	s9 =	sor.u32 $0x30, s7;
	s3 =	sadd.s32 s3, s4;
	s4 =	simm.s32 $0x2  }
0x8: {  	v8 =	vmul.u32 $0x7D00, v1;
	v0 =	vmov s7;
	[tilespmem:s2], [sflag:$0x2] =	stream.linear.gather [hbm4b:s3+s2], $0x80, $0x38;
	[tilespmem:$0x100] =	vst v63  }
0x9: {  	v1 =	vimm.f32 $8.000000110e-01;
	s26 =	sor.u32 $0x70, s7;
	s28 =	sor.u32 $0x50, s7;
	v0 =	vmul.u32 $0x7D00, v0;
	v2 =	vmov s8;
	_ =	swait.ge [sflag:s4], $0x80  }
0xa: {  	s29 =	sor.u32 $0x40, s7;
	s7 =	sor.u32 $0x60, s7;
	v3 =	vmov s25;
	v4 =	vmov s9;
	v7 =	vmov s28;
	[sflag:s4] =	ssyncset.done $0x0  }
0xb: {  	v9 =	vmov s29;
	v12 =	vmov s7;
	v2 =	vmul.u32 $0x7D00, v2;
	[sflag:s4] =	ssyncadd.s32 $0xFFFFFF80  }
0xc: {  	s6 =	ssub.s32 $0x2, s6;
	v3 =	vmul.u32 $0x7D00, v3;
	v4 =	vmul.u32 $0x7D00, v4;
	v7 =	vmul.u32 $0x7D00, v7;
	[tilespmem:$0xE0] =	vst v1;
	v6 =	vld [tilespmem:$0x70]  }
0xd: {  	s30 =	sshrl.u32 s6, $0x1;
	v9 =	vmul.u32 $0x7D00, v9;
	v5 =	vbroadcast v2, $0x0;
	v2 =	vmov s26;
	[tilespmem:$0xD0] =	vst v1;
	v10 =	vld [tilespmem:$0x50]  }
0xe: {  	s6 =	ssub.s32 s6, s30;
	v0 =	vbroadcast v0, $0x0;
	v14 =	vbroadcast v3, $0x0;
	v2 =	vmul.u32 $0x7D00, v2;
	v11 =	vld [tilespmem:$0x60];
	[tilespmem:$0xC0] =	vst v1  }
0xf: {  	s31 =	smax.u32 s6, $0x1;
	v3 =	vbroadcast v7, $0x0;
	v7 =	vmul.u32 $0x7D00, v12;
	v12 =	vbroadcast v4, $0x0;
	v13 =	vld [tilespmem:$0x30];
	[tilespmem:$0xB0] =	vst v1  }
0x10: {  	p0 =	sne.s32 s31, $0x1;
	v16 =	vbroadcast v9, $0x0;
	v15 =	vld [tilespmem:$0x20];
	[tilespmem:$0xA0] =	vst v1;
	v2 =	vbroadcast v2, $0x0  }
.Ltmp0:
0x11: {  	[tilespmem:$0x90] =	vst v1;
	v4 =	vadd.s32 v8, v3;
	v17 =	vbroadcast v7, $0x0;
	v3 =	vadd.s32 v8, v5;
	v9 =	vld [tilespmem:$0x10];
	(pc) =	sbr.rel @!p0 .LBB2_2-.Ltmp0, $4  }
0x12: {  	[tilespmem:$0x80] =	vst v1;
	v5 =	vadd.s32 v8, v14;
	v2 =	vadd.s32 v8, v2;
	v14 =	vadd.s32 v10, v4;
	v10 =	vld [tilespmem:$0x40]  }
0x13: {  	v7 =	vadd.s32 v8, v12;
	v12 =	vld [tilespmem:$0x0];
	[tilespmem:$0xF0] =	vst v1;
	v6 =	vadd.s32 v6, v2  }
0x14: {  	s5 =	sadd.s32 $0x600, s5;
	v0 =	vadd.s32 v8, v0;
	[tilespmem:$0x70] =	vst v6;
	v6 =	vadd.s32 v8, v16;
	v8 =	vadd.s32 v8, v17  }
0x15: {  	s7 =	simm.s32 $0x80;
	s6 =	simm.s32 $0x1;
	s8 =	sadd.s32 $0xFFFFFFFF, s31;
	v13 =	vadd.s32 v13, v7;
	[tilespmem:$0x50] =	vst v14;
	v14 =	vadd.s32 v15, v5;
	v11 =	vadd.s32 v11, v8  }
.LBB2_1:
0x16: {  	p0 =	sne.s32 s8, $0x1;
	s8 =	sadd.s32 $0xFFFFFFFF, s8;
	[tilespmem:$0x20] =	vst v14  }
0x17: {  	[tilespmem:$0x30] =	vst v13;
	v10 =	vadd.s32 v10, v6  }
0x18: {  	v9 =	vadd.s32 v9, v3;
	v12 =	vadd.s32 v12, v0;
	[tilespmem:$0x60] =	vst v11  }
0x19: {  	[tilespmem:$0x40] =	vst v10  }
0x1a: {  	[tilespmem:$0x10] =	vst v9  }
0x1b: {  	[tilespmem:$0x0] =	vst v12  }
0x1c: {  	[hbm4b:s5+s7] =	stream.indirect.scatter [tilespmem:s7], [sflag:$0x1], $0x1, s2, s7, $0xb8;
	[tilespmem:$0x100] =	vst v63  }
0x1d: {  	_ =	swait.ge [sflag:s6], $0x80  }
0x1e: {  	[sflag:s6] =	ssyncset.done $0x0  }
0x1f: {  	[sflag:s6] =	ssyncadd.s32 $0xFFFFFF80  }
0x20: {  	[tilespmem:s2], [sflag:$0x2] =	stream.linear.gather [hbm4b:s3+s2], $0x80, $0x38;
	[tilespmem:$0x100] =	vst v63  }
0x21: {  	_ =	swait.ge [sflag:s4], $0x80  }
0x22: {  	[sflag:s4] =	ssyncset.done $0x0  }
0x23: {  	[sflag:s4] =	ssyncadd.s32 $0xFFFFFF80  }
0x24: {  	[tilespmem:$0xE0] =	vst v1;
	v10 =	vld [tilespmem:$0x70]  }
0x25: {  	[tilespmem:$0xD0] =	vst v1;
	v11 =	vld [tilespmem:$0x60]  }
0x26: {  	[tilespmem:$0xC0] =	vst v1;
	v13 =	vld [tilespmem:$0x50]  }
0x27: {  	v14 =	vld [tilespmem:$0x30];
	[tilespmem:$0xB0] =	vst v1  }
0x28: {  	v15 =	vld [tilespmem:$0x20];
	[tilespmem:$0xA0] =	vst v1  }
.Ltmp1:
0x29: {  	v9 =	vld [tilespmem:$0x10];
	[tilespmem:$0x90] =	vst v1;
	v16 =	vadd.s32 v10, v2;
	(pc) =	sbr.rel @p0 .LBB2_1-.Ltmp1, $4  }
0x2a: {  	[tilespmem:$0x80] =	vst v1;
	v10 =	vld [tilespmem:$0x40];
	v11 =	vadd.s32 v11, v8  }
0x2b: {  	v12 =	vld [tilespmem:$0x0];
	v17 =	vadd.s32 v13, v4;
	[tilespmem:$0x70] =	vst v16  }
0x2c: {  	v13 =	vadd.s32 v14, v7;
	[tilespmem:$0x50] =	vst v17  }
0x2d: {  	v14 =	vadd.s32 v15, v5;
	[tilespmem:$0xF0] =	vst v1  }
.LBB2_2:
0x2e: {  	[tilespmem:$0x20] =	vst v14  }
0x2f: {  	[tilespmem:$0x30] =	vst v13  }
0x30: {  	[tilespmem:$0x60] =	vst v11;
	v2 =	vadd.s32 v9, v3  }
0x31: {  	v1 =	vadd.s32 v10, v6;
	[tilespmem:$0x10] =	vst v2  }
0x32: {  	[tilespmem:$0x40] =	vst v1;
	v0 =	vadd.s32 v12, v0  }
0x33: {  	[tilespmem:$0x0] =	vst v0  }
0x34: {  	[hbm4b:s5+s7] =	stream.indirect.scatter [tilespmem:s7], [sflag:$0x1], $0x1, s2, s7, $0xb8;
	[tilespmem:$0x100] =	vst v63  }
0x35: {  	_ =	swait.ge [sflag:s6], $0x80  }
0x36: {  	[sflag:s6] =	ssyncset.done $0x0  }
0x37: {  	[sflag:s6] =	ssyncadd.s32 $0xFFFFFF80  }
0x38: {  	_ =	sfence.sel $0x180000  }
0x39: {  	[bflag:$0x0] =	sbarrier.arrive $0xFFFF  }
0x3a: {  	p0 =	sne.s32 s1, $0x0;
	_ =	strace $0x90000047  }
0x3b: {  	s0 =	sadd.s32 @!p0 $0x100000, s0;
	[bflag:$0x2] =	sbarrier.arrive $0xFFFF  }
0x3c: {  	[sflag:s0] =	ssyncadd.tile.s32 @!p0 $0x1;
	_ =	shalt  }
.Lfunc_end2:
_tile_overlayer_lowered:
.L_overlay_start_2:
0x3d: {  	(tag) =	ssettag $0x2  }
0x3e: {  	s0 =	rddreg [dreg:$0x0];
	s2 =	stileid.u32  }
0x3f: {  	s1 =	rddreg [dreg:$0x1];
	p0 =	sne.s32 s2, $0x0  }
0x40: {  	s3 =	rddreg [dreg:$0x2];
	[bflag:$0x3] =	sbarrier.arrive $0xFFFF;
	s2 =	simm.s32 @!p0 $0x1C02  }
0x41: {  	[timem:s3], [sflag:s2] =	dma.local @!p0 [hbm:s0], s1  }
0x42: {  	s0 =	simm.s32 @!p0 $0x2  }
0x43: {  	_ =	swait.ge @!p0 [sflag:s0], s1  }
0x44: {  	s1 =	ssub.s32 @!p0 $0x0, s1;
	[sflag:s0] =	ssyncset.done @!p0 $0x0  }
0x45: {  	[sflag:s0] =	ssyncadd.s32 @!p0 s1  }
0x46: {  	[bflag:$0x3] =	sbarrier.arrive $0xFFFF  }
0x47: {  	_ =	shalt  }

</sc_bundles>
